<compile_context>
chip_gen: v7x
topology: tpu7x:2x2x1
jax: 0.10.2.dev20260603
libtpu: 0.0.44.dev20260713+nightly
codegen_flags: <defaults>
</compile_context>

<pallas_src>
import functools

import jax
import jax.numpy as jnp
from jax import lax
from jax.experimental import pallas as pl
from jax.experimental.pallas import tpu as pltpu
from jax.experimental.pallas import tpu_sc as plsc

B = 16384
D = 64
NC = 2
NS = 16
NW = NC * NS
B_PER_W = B // NW


def _make_gather():
    mesh = plsc.VectorSubcoreMesh(core_axis_name="c", subcore_axis_name="s")

    @functools.partial(
        pl.kernel,
        mesh=mesh,
        out_type=jax.ShapeDtypeStruct((B, D), jnp.float32),
        scratch_types=[
            pltpu.VMEM((B_PER_W,), jnp.int32),
            pltpu.SemaphoreType.DMA,
        ],
    )
    def gather(table_hbm, idx_hbm, out_hbm, idx_v, sem):
        wid = lax.axis_index("s") * NC + lax.axis_index("c")
        base = wid * B_PER_W
        pltpu.sync_copy(idx_hbm.at[pl.ds(base, B_PER_W)], idx_v)

        def fire(g, _):
            v = idx_v[pl.ds(g * 16, 16)]
            for l in range(16):
                pltpu.async_copy(
                    table_hbm.at[pl.ds(v[l], 1), :],
                    out_hbm.at[pl.ds(base + g * 16 + l, 1), :],
                    sem,
                )
            return 0

        lax.fori_loop(0, B_PER_W // 16, fire, 0)

        def drain(i, _):
            pltpu.make_async_copy(
                table_hbm.at[pl.ds(0, 1), :],
                out_hbm.at[pl.ds(base, 1), :],
                sem,
            ).wait()
            return 0

        lax.fori_loop(0, B_PER_W, drain, 0)

    return gather


_gather = _make_gather()


def kernel(class_ids, table):
    out = _gather(table, class_ids)
    return out.reshape(B, 1, D)

# --- scband reference (transcript-rebuilt; emitter-appended) ---
"""Pipeline reference for scband-class-embedder-4191888081352 (READ-ONLY COPY).

The authoritative reference and input builder live on the scoring server;
editing this copy changes nothing except your own understanding.
"""

import jax, jax.numpy as jnp
import numpy as np

B = 16384
N_CLASSES = 1000000
EMBED_DIM = 64

def setup_inputs(seed: int = 0) -> dict:
    key = jax.random.key(seed)
    k1, k2 = jax.random.split(key)
    class_ids = jax.random.randint(k1, (B,), 0, N_CLASSES, dtype=jnp.int64 if jax.config.read('jax_enable_x64') else jnp.int32)
    table = jax.random.normal(k2, (N_CLASSES, EMBED_DIM), dtype=jnp.float32)
    return {"class_ids": class_ids, "table": table}

def reference(class_ids, table):
    # batch[key][:, None] -> [B, 1]; nn.Embedding lookup -> [B, 1, embed_dim]
    c = class_ids[:, None]
    out = jnp.take(table, c, axis=0)
    return out

if __name__ == "__main__":
    import jax
    _d = setup_inputs()
    print(jax.jit(kernel)(*tuple(_d.values())))

</pallas_src>

<mosaic_0001>
#map = affine_map<(d0, d1) -> (0, 0)>
#map1 = affine_map<(d0, d1) -> (0)>
module attributes {stable_mosaic.version = 14 : i64} {
  func.func @gather(%arg0: i32, %arg1: i32, %arg2: memref<1000000x64xf32, #tpu.memory_space<hbm>>, %arg3: memref<16384xi32, #tpu.memory_space<hbm>>, %arg4: memref<16384x64xf32, #tpu.memory_space<hbm>>, %arg5: memref<512xi32, #tpu.memory_space<vmem>>, %arg6: memref<!tpu.dma_semaphore, #tpu.memory_space<semaphore_mem>>) attributes {dimension_semantics = [#tpu.dimension_semantics<core_parallel>, #tpu.dimension_semantics<subcore_parallel>], iteration_bounds = array<i64: 2, 16>, scalar_prefetch = 0 : i64, scratch_operands = 2 : i64, tpu.core_type = #tpu.core_type<sc_vector_subcore>, window_params = [{transform_indices = #map}, {transform_indices = #map1}, {transform_indices = #map}]} {
    %mul3A = arith.constant 2 : i32
    %mul3A_0 = arith.muli %arg1, %mul3A : i32
    %add3A = arith.addi %mul3A_0, %arg0 : i32
    %mul3A_1 = arith.constant 512 : i32
    %mul3A_2 = arith.muli %add3A, %mul3A_1 : i32
    "tpu.region"() ({
      %run_scoped3A = tpu.sem_alloc : memref<!tpu.dma_semaphore, #tpu.memory_space<semaphore_mem>>
      %dma_start3A = tpu.memref_slice %arg3[%mul3A_2] : memref<16384xi32, #tpu.memory_space<hbm>> -> memref<512xi32, #tpu.memory_space<hbm>>
      %dma_start3A_16 = tpu.memref_slice %arg3[%mul3A_2] : memref<16384xi32, #tpu.memory_space<hbm>> -> memref<512xi32, #tpu.memory_space<hbm>>
      tpu.enqueue_dma source(%dma_start3A_16 : memref<512xi32, #tpu.memory_space<hbm>>) target(%arg5 : memref<512xi32, #tpu.memory_space<vmem>>) target_semaphore(%run_scoped3A : memref<!tpu.dma_semaphore, #tpu.memory_space<semaphore_mem>>)
      %dma_wait3A = tpu.memref_slice %arg3[%mul3A_2] : memref<16384xi32, #tpu.memory_space<hbm>> -> memref<512xi32, #tpu.memory_space<hbm>>
      %dma_wait3A_17 = tpu.memref_slice %arg3[%mul3A_2] : memref<16384xi32, #tpu.memory_space<hbm>> -> memref<512xi32, #tpu.memory_space<hbm>>
      tpu.wait_dma2 semaphore(%run_scoped3A : memref<!tpu.dma_semaphore, #tpu.memory_space<semaphore_mem>>) src(%dma_wait3A_17 : memref<512xi32, #tpu.memory_space<hbm>>) dst(%arg5 : memref<512xi32, #tpu.memory_space<vmem>>)
      tpu.yield
    }) : () -> ()
    %scan3A = arith.constant 0 : i32
    %scan3A_3 = arith.constant 0 : i32
    %scan3A_4 = arith.constant 32 : i32
    %scan3A_5 = arith.addi %scan3A_3, %scan3A_4 : i32
    %scan3A_6 = arith.constant 1 : i32
    %scan3A_7 = scf.for %scan3A_16 = %scan3A_3 to %scan3A_5 step %scan3A_6 iter_args(%scan3A_17 = %scan3A) -> (i32)  : i32 {
      %mul3A_18 = arith.constant 16 : i32
      %mul3A_19 = arith.muli %scan3A_16, %mul3A_18 : i32
      %get3A = arith.index_cast %mul3A_19 : i32 to index
      %get3A_20 = tpu.vector_load %arg5[%get3A] {strides = array<i32>} : memref<512xi32, #tpu.memory_space<vmem>>, vector<16xi32>,
      %get3A_21 = vector.shape_cast %get3A_20 : vector<16xi32> to vector<16xi32>
      %slice3A = vector.extract_strided_slice %get3A_21 {offsets = [0], sizes = [1], strides = [1]} : vector<16xi32> to vector<1xi32>
      %squeeze3A = vector.extract %slice3A[0] : i32 from vector<1xi32>
      %mul3A_22 = arith.constant 16 : i32
      %mul3A_23 = arith.muli %scan3A_16, %mul3A_22 : i32
      %add3A_24 = arith.addi %mul3A_2, %mul3A_23 : i32
      %add3A_25 = arith.constant 0 : i32
      %add3A_26 = arith.addi %add3A_24, %add3A_25 : i32
      %dma_start3A = arith.constant 0 : i32
      %dma_start3A_27 = tpu.memref_slice %arg4[%add3A_26, %dma_start3A] : memref<16384x64xf32, #tpu.memory_space<hbm>> -> memref<1x64xf32, #tpu.memory_space<hbm>>
      %dma_start3A_28 = arith.constant 0 : i32
      %dma_start3A_29 = tpu.memref_slice %arg2[%squeeze3A, %dma_start3A_28] : memref<1000000x64xf32, #tpu.memory_space<hbm>> -> memref<1x64xf32, #tpu.memory_space<hbm>>
      tpu.enqueue_dma source(%dma_start3A_29 : memref<1x64xf32, #tpu.memory_space<hbm>>) target(%dma_start3A_27 : memref<1x64xf32, #tpu.memory_space<hbm>>) target_semaphore(%arg6 : memref<!tpu.dma_semaphore, #tpu.memory_space<semaphore_mem>>)
      %slice3A_30 = vector.extract_strided_slice %get3A_21 {offsets = [1], sizes = [1], strides = [1]} : vector<16xi32> to vector<1xi32>
      %squeeze3A_31 = vector.extract %slice3A_30[0] : i32 from vector<1xi32>
      %mul3A_32 = arith.constant 16 : i32
      %mul3A_33 = arith.muli %scan3A_16, %mul3A_32 : i32
      %add3A_34 = arith.addi %mul3A_2, %mul3A_33 : i32
      %add3A_35 = arith.constant 1 : i32
      %add3A_36 = arith.addi %add3A_34, %add3A_35 : i32
      %dma_start3A_37 = arith.constant 0 : i32
      %dma_start3A_38 = tpu.memref_slice %arg4[%add3A_36, %dma_start3A_37] : memref<16384x64xf32, #tpu.memory_space<hbm>> -> memref<1x64xf32, #tpu.memory_space<hbm>>
      %dma_start3A_39 = arith.constant 0 : i32
      %dma_start3A_40 = tpu.memref_slice %arg2[%squeeze3A_31, %dma_start3A_39] : memref<1000000x64xf32, #tpu.memory_space<hbm>> -> memref<1x64xf32, #tpu.memory_space<hbm>>
      tpu.enqueue_dma source(%dma_start3A_40 : memref<1x64xf32, #tpu.memory_space<hbm>>) target(%dma_start3A_38 : memref<1x64xf32, #tpu.memory_space<hbm>>) target_semaphore(%arg6 : memref<!tpu.dma_semaphore, #tpu.memory_space<semaphore_mem>>)
      %slice3A_41 = vector.extract_strided_slice %get3A_21 {offsets = [2], sizes = [1], strides = [1]} : vector<16xi32> to vector<1xi32>
      %squeeze3A_42 = vector.extract %slice3A_41[0] : i32 from vector<1xi32>
      %mul3A_43 = arith.constant 16 : i32
      %mul3A_44 = arith.muli %scan3A_16, %mul3A_43 : i32
      %add3A_45 = arith.addi %mul3A_2, %mul3A_44 : i32
      %add3A_46 = arith.constant 2 : i32
      %add3A_47 = arith.addi %add3A_45, %add3A_46 : i32
      %dma_start3A_48 = arith.constant 0 : i32
      %dma_start3A_49 = tpu.memref_slice %arg4[%add3A_47, %dma_start3A_48] : memref<16384x64xf32, #tpu.memory_space<hbm>> -> memref<1x64xf32, #tpu.memory_space<hbm>>
      %dma_start3A_50 = arith.constant 0 : i32
      %dma_start3A_51 = tpu.memref_slice %arg2[%squeeze3A_42, %dma_start3A_50] : memref<1000000x64xf32, #tpu.memory_space<hbm>> -> memref<1x64xf32, #tpu.memory_space<hbm>>
      tpu.enqueue_dma source(%dma_start3A_51 : memref<1x64xf32, #tpu.memory_space<hbm>>) target(%dma_start3A_49 : memref<1x64xf32, #tpu.memory_space<hbm>>) target_semaphore(%arg6 : memref<!tpu.dma_semaphore, #tpu.memory_space<semaphore_mem>>)
      %slice3A_52 = vector.extract_strided_slice %get3A_21 {offsets = [3], sizes = [1], strides = [1]} : vector<16xi32> to vector<1xi32>
      %squeeze3A_53 = vector.extract %slice3A_52[0] : i32 from vector<1xi32>
      %mul3A_54 = arith.constant 16 : i32
      %mul3A_55 = arith.muli %scan3A_16, %mul3A_54 : i32
      %add3A_56 = arith.addi %mul3A_2, %mul3A_55 : i32
      %add3A_57 = arith.constant 3 : i32
      %add3A_58 = arith.addi %add3A_56, %add3A_57 : i32
      %dma_start3A_59 = arith.constant 0 : i32
      %dma_start3A_60 = tpu.memref_slice %arg4[%add3A_58, %dma_start3A_59] : memref<16384x64xf32, #tpu.memory_space<hbm>> -> memref<1x64xf32, #tpu.memory_space<hbm>>
      %dma_start3A_61 = arith.constant 0 : i32
      %dma_start3A_62 = tpu.memref_slice %arg2[%squeeze3A_53, %dma_start3A_61] : memref<1000000x64xf32, #tpu.memory_space<hbm>> -> memref<1x64xf32, #tpu.memory_space<hbm>>
      tpu.enqueue_dma source(%dma_start3A_62 : memref<1x64xf32, #tpu.memory_space<hbm>>) target(%dma_start3A_60 : memref<1x64xf32, #tpu.memory_space<hbm>>) target_semaphore(%arg6 : memref<!tpu.dma_semaphore, #tpu.memory_space<semaphore_mem>>)
      %slice3A_63 = vector.extract_strided_slice %get3A_21 {offsets = [4], sizes = [1], strides = [1]} : vector<16xi32> to vector<1xi32>
      %squeeze3A_64 = vector.extract %slice3A_63[0] : i32 from vector<1xi32>
      %mul3A_65 = arith.constant 16 : i32
      %mul3A_66 = arith.muli %scan3A_16, %mul3A_65 : i32
      %add3A_67 = arith.addi %mul3A_2, %mul3A_66 : i32
      %add3A_68 = arith.constant 4 : i32
      %add3A_69 = arith.addi %add3A_67, %add3A_68 : i32
      %dma_start3A_70 = arith.constant 0 : i32
      %dma_start3A_71 = tpu.memref_slice %arg4[%add3A_69, %dma_start3A_70] : memref<16384x64xf32, #tpu.memory_space<hbm>> -> memref<1x64xf32, #tpu.memory_space<hbm>>
      %dma_start3A_72 = arith.constant 0 : i32
      %dma_start3A_73 = tpu.memref_slice %arg2[%squeeze3A_64, %dma_start3A_72] : memref<1000000x64xf32, #tpu.memory_space<hbm>> -> memref<1x64xf32, #tpu.memory_space<hbm>>
      tpu.enqueue_dma source(%dma_start3A_73 : memref<1x64xf32, #tpu.memory_space<hbm>>) target(%dma_start3A_71 : memref<1x64xf32, #tpu.memory_space<hbm>>) target_semaphore(%arg6 : memref<!tpu.dma_semaphore, #tpu.memory_space<semaphore_mem>>)
      %slice3A_74 = vector.extract_strided_slice %get3A_21 {offsets = [5], sizes = [1], strides = [1]} : vector<16xi32> to vector<1xi32>
      %squeeze3A_75 = vector.extract %slice3A_74[0] : i32 from vector<1xi32>
      %mul3A_76 = arith.constant 16 : i32
      %mul3A_77 = arith.muli %scan3A_16, %mul3A_76 : i32
      %add3A_78 = arith.addi %mul3A_2, %mul3A_77 : i32
      %add3A_79 = arith.constant 5 : i32
      %add3A_80 = arith.addi %add3A_78, %add3A_79 : i32
      %dma_start3A_81 = arith.constant 0 : i32
      %dma_start3A_82 = tpu.memref_slice %arg4[%add3A_80, %dma_start3A_81] : memref<16384x64xf32, #tpu.memory_space<hbm>> -> memref<1x64xf32, #tpu.memory_space<hbm>>
      %dma_start3A_83 = arith.constant 0 : i32
      %dma_start3A_84 = tpu.memref_slice %arg2[%squeeze3A_75, %dma_start3A_83] : memref<1000000x64xf32, #tpu.memory_space<hbm>> -> memref<1x64xf32, #tpu.memory_space<hbm>>
      tpu.enqueue_dma source(%dma_start3A_84 : memref<1x64xf32, #tpu.memory_space<hbm>>) target(%dma_start3A_82 : memref<1x64xf32, #tpu.memory_space<hbm>>) target_semaphore(%arg6 : memref<!tpu.dma_semaphore, #tpu.memory_space<semaphore_mem>>)
      %slice3A_85 = vector.extract_strided_slice %get3A_21 {offsets = [6], sizes = [1], strides = [1]} : vector<16xi32> to vector<1xi32>
      %squeeze3A_86 = vector.extract %slice3A_85[0] : i32 from vector<1xi32>
      %mul3A_87 = arith.constant 16 : i32
      %mul3A_88 = arith.muli %scan3A_16, %mul3A_87 : i32
      %add3A_89 = arith.addi %mul3A_2, %mul3A_88 : i32
      %add3A_90 = arith.constant 6 : i32
      %add3A_91 = arith.addi %add3A_89, %add3A_90 : i32
      %dma_start3A_92 = arith.constant 0 : i32
      %dma_start3A_93 = tpu.memref_slice %arg4[%add3A_91, %dma_start3A_92] : memref<16384x64xf32, #tpu.memory_space<hbm>> -> memref<1x64xf32, #tpu.memory_space<hbm>>
      %dma_start3A_94 = arith.constant 0 : i32
      %dma_start3A_95 = tpu.memref_slice %arg2[%squeeze3A_86, %dma_start3A_94] : memref<1000000x64xf32, #tpu.memory_space<hbm>> -> memref<1x64xf32, #tpu.memory_space<hbm>>
      tpu.enqueue_dma source(%dma_start3A_95 : memref<1x64xf32, #tpu.memory_space<hbm>>) target(%dma_start3A_93 : memref<1x64xf32, #tpu.memory_space<hbm>>) target_semaphore(%arg6 : memref<!tpu.dma_semaphore, #tpu.memory_space<semaphore_mem>>)
      %slice3A_96 = vector.extract_strided_slice %get3A_21 {offsets = [7], sizes = [1], strides = [1]} : vector<16xi32> to vector<1xi32>
      %squeeze3A_97 = vector.extract %slice3A_96[0] : i32 from vector<1xi32>
      %mul3A_98 = arith.constant 16 : i32
      %mul3A_99 = arith.muli %scan3A_16, %mul3A_98 : i32
      %add3A_100 = arith.addi %mul3A_2, %mul3A_99 : i32
      %add3A_101 = arith.constant 7 : i32
      %add3A_102 = arith.addi %add3A_100, %add3A_101 : i32
      %dma_start3A_103 = arith.constant 0 : i32
      %dma_start3A_104 = tpu.memref_slice %arg4[%add3A_102, %dma_start3A_103] : memref<16384x64xf32, #tpu.memory_space<hbm>> -> memref<1x64xf32, #tpu.memory_space<hbm>>
      %dma_start3A_105 = arith.constant 0 : i32
      %dma_start3A_106 = tpu.memref_slice %arg2[%squeeze3A_97, %dma_start3A_105] : memref<1000000x64xf32, #tpu.memory_space<hbm>> -> memref<1x64xf32, #tpu.memory_space<hbm>>
      tpu.enqueue_dma source(%dma_start3A_106 : memref<1x64xf32, #tpu.memory_space<hbm>>) target(%dma_start3A_104 : memref<1x64xf32, #tpu.memory_space<hbm>>) target_semaphore(%arg6 : memref<!tpu.dma_semaphore, #tpu.memory_space<semaphore_mem>>)
      %slice3A_107 = vector.extract_strided_slice %get3A_21 {offsets = [8], sizes = [1], strides = [1]} : vector<16xi32> to vector<1xi32>
      %squeeze3A_108 = vector.extract %slice3A_107[0] : i32 from vector<1xi32>
      %mul3A_109 = arith.constant 16 : i32
      %mul3A_110 = arith.muli %scan3A_16, %mul3A_109 : i32
      %add3A_111 = arith.addi %mul3A_2, %mul3A_110 : i32
      %add3A_112 = arith.constant 8 : i32
      %add3A_113 = arith.addi %add3A_111, %add3A_112 : i32
      %dma_start3A_114 = arith.constant 0 : i32
      %dma_start3A_115 = tpu.memref_slice %arg4[%add3A_113, %dma_start3A_114] : memref<16384x64xf32, #tpu.memory_space<hbm>> -> memref<1x64xf32, #tpu.memory_space<hbm>>
      %dma_start3A_116 = arith.constant 0 : i32
      %dma_start3A_117 = tpu.memref_slice %arg2[%squeeze3A_108, %dma_start3A_116] : memref<1000000x64xf32, #tpu.memory_space<hbm>> -> memref<1x64xf32, #tpu.memory_space<hbm>>
      tpu.enqueue_dma source(%dma_start3A_117 : memref<1x64xf32, #tpu.memory_space<hbm>>) target(%dma_start3A_115 : memref<1x64xf32, #tpu.memory_space<hbm>>) target_semaphore(%arg6 : memref<!tpu.dma_semaphore, #tpu.memory_space<semaphore_mem>>)
      %slice3A_118 = vector.extract_strided_slice %get3A_21 {offsets = [9], sizes = [1], strides = [1]} : vector<16xi32> to vector<1xi32>
      %squeeze3A_119 = vector.extract %slice3A_118[0] : i32 from vector<1xi32>
      %mul3A_120 = arith.constant 16 : i32
      %mul3A_121 = arith.muli %scan3A_16, %mul3A_120 : i32
      %add3A_122 = arith.addi %mul3A_2, %mul3A_121 : i32
      %add3A_123 = arith.constant 9 : i32
      %add3A_124 = arith.addi %add3A_122, %add3A_123 : i32
      %dma_start3A_125 = arith.constant 0 : i32
      %dma_start3A_126 = tpu.memref_slice %arg4[%add3A_124, %dma_start3A_125] : memref<16384x64xf32, #tpu.memory_space<hbm>> -> memref<1x64xf32, #tpu.memory_space<hbm>>
      %dma_start3A_127 = arith.constant 0 : i32
      %dma_start3A_128 = tpu.memref_slice %arg2[%squeeze3A_119, %dma_start3A_127] : memref<1000000x64xf32, #tpu.memory_space<hbm>> -> memref<1x64xf32, #tpu.memory_space<hbm>>
      tpu.enqueue_dma source(%dma_start3A_128 : memref<1x64xf32, #tpu.memory_space<hbm>>) target(%dma_start3A_126 : memref<1x64xf32, #tpu.memory_space<hbm>>) target_semaphore(%arg6 : memref<!tpu.dma_semaphore, #tpu.memory_space<semaphore_mem>>)
      %slice3A_129 = vector.extract_strided_slice %get3A_21 {offsets = [10], sizes = [1], strides = [1]} : vector<16xi32> to vector<1xi32>
      %squeeze3A_130 = vector.extract %slice3A_129[0] : i32 from vector<1xi32>
      %mul3A_131 = arith.constant 16 : i32
      %mul3A_132 = arith.muli %scan3A_16, %mul3A_131 : i32
      %add3A_133 = arith.addi %mul3A_2, %mul3A_132 : i32
      %add3A_134 = arith.constant 10 : i32
      %add3A_135 = arith.addi %add3A_133, %add3A_134 : i32
      %dma_start3A_136 = arith.constant 0 : i32
      %dma_start3A_137 = tpu.memref_slice %arg4[%add3A_135, %dma_start3A_136] : memref<16384x64xf32, #tpu.memory_space<hbm>> -> memref<1x64xf32, #tpu.memory_space<hbm>>
      %dma_start3A_138 = arith.constant 0 : i32
      %dma_start3A_139 = tpu.memref_slice %arg2[%squeeze3A_130, %dma_start3A_138] : memref<1000000x64xf32, #tpu.memory_space<hbm>> -> memref<1x64xf32, #tpu.memory_space<hbm>>
      tpu.enqueue_dma source(%dma_start3A_139 : memref<1x64xf32, #tpu.memory_space<hbm>>) target(%dma_start3A_137 : memref<1x64xf32, #tpu.memory_space<hbm>>) target_semaphore(%arg6 : memref<!tpu.dma_semaphore, #tpu.memory_space<semaphore_mem>>)
      %slice3A_140 = vector.extract_strided_slice %get3A_21 {offsets = [11], sizes = [1], strides = [1]} : vector<16xi32> to vector<1xi32>
      %squeeze3A_141 = vector.extract %slice3A_140[0] : i32 from vector<1xi32>
      %mul3A_142 = arith.constant 16 : i32
      %mul3A_143 = arith.muli %scan3A_16, %mul3A_142 : i32
      %add3A_144 = arith.addi %mul3A_2, %mul3A_143 : i32
      %add3A_145 = arith.constant 11 : i32
      %add3A_146 = arith.addi %add3A_144, %add3A_145 : i32
      %dma_start3A_147 = arith.constant 0 : i32
      %dma_start3A_148 = tpu.memref_slice %arg4[%add3A_146, %dma_start3A_147] : memref<16384x64xf32, #tpu.memory_space<hbm>> -> memref<1x64xf32, #tpu.memory_space<hbm>>
      %dma_start3A_149 = arith.constant 0 : i32
      %dma_start3A_150 = tpu.memref_slice %arg2[%squeeze3A_141, %dma_start3A_149] : memref<1000000x64xf32, #tpu.memory_space<hbm>> -> memref<1x64xf32, #tpu.memory_space<hbm>>
      tpu.enqueue_dma source(%dma_start3A_150 : memref<1x64xf32, #tpu.memory_space<hbm>>) target(%dma_start3A_148 : memref<1x64xf32, #tpu.memory_space<hbm>>) target_semaphore(%arg6 : memref<!tpu.dma_semaphore, #tpu.memory_space<semaphore_mem>>)
      %slice3A_151 = vector.extract_strided_slice %get3A_21 {offsets = [12], sizes = [1], strides = [1]} : vector<16xi32> to vector<1xi32>
      %squeeze3A_152 = vector.extract %slice3A_151[0] : i32 from vector<1xi32>
      %mul3A_153 = arith.constant 16 : i32
      %mul3A_154 = arith.muli %scan3A_16, %mul3A_153 : i32
      %add3A_155 = arith.addi %mul3A_2, %mul3A_154 : i32
      %add3A_156 = arith.constant 12 : i32
      %add3A_157 = arith.addi %add3A_155, %add3A_156 : i32
      %dma_start3A_158 = arith.constant 0 : i32
      %dma_start3A_159 = tpu.memref_slice %arg4[%add3A_157, %dma_start3A_158] : memref<16384x64xf32, #tpu.memory_space<hbm>> -> memref<1x64xf32, #tpu.memory_space<hbm>>
      %dma_start3A_160 = arith.constant 0 : i32
      %dma_start3A_161 = tpu.memref_slice %arg2[%squeeze3A_152, %dma_start3A_160] : memref<1000000x64xf32, #tpu.memory_space<hbm>> -> memref<1x64xf32, #tpu.memory_space<hbm>>
      tpu.enqueue_dma source(%dma_start3A_161 : memref<1x64xf32, #tpu.memory_space<hbm>>) target(%dma_start3A_159 : memref<1x64xf32, #tpu.memory_space<hbm>>) target_semaphore(%arg6 : memref<!tpu.dma_semaphore, #tpu.memory_space<semaphore_mem>>)
      %slice3A_162 = vector.extract_strided_slice %get3A_21 {offsets = [13], sizes = [1], strides = [1]} : vector<16xi32> to vector<1xi32>
      %squeeze3A_163 = vector.extract %slice3A_162[0] : i32 from vector<1xi32>
      %mul3A_164 = arith.constant 16 : i32
      %mul3A_165 = arith.muli %scan3A_16, %mul3A_164 : i32
      %add3A_166 = arith.addi %mul3A_2, %mul3A_165 : i32
      %add3A_167 = arith.constant 13 : i32
      %add3A_168 = arith.addi %add3A_166, %add3A_167 : i32
      %dma_start3A_169 = arith.constant 0 : i32
      %dma_start3A_170 = tpu.memref_slice %arg4[%add3A_168, %dma_start3A_169] : memref<16384x64xf32, #tpu.memory_space<hbm>> -> memref<1x64xf32, #tpu.memory_space<hbm>>
      %dma_start3A_171 = arith.constant 0 : i32
      %dma_start3A_172 = tpu.memref_slice %arg2[%squeeze3A_163, %dma_start3A_171] : memref<1000000x64xf32, #tpu.memory_space<hbm>> -> memref<1x64xf32, #tpu.memory_space<hbm>>
      tpu.enqueue_dma source(%dma_start3A_172 : memref<1x64xf32, #tpu.memory_space<hbm>>) target(%dma_start3A_170 : memref<1x64xf32, #tpu.memory_space<hbm>>) target_semaphore(%arg6 : memref<!tpu.dma_semaphore, #tpu.memory_space<semaphore_mem>>)
      %slice3A_173 = vector.extract_strided_slice %get3A_21 {offsets = [14], sizes = [1], strides = [1]} : vector<16xi32> to vector<1xi32>
      %squeeze3A_174 = vector.extract %slice3A_173[0] : i32 from vector<1xi32>
      %mul3A_175 = arith.constant 16 : i32
      %mul3A_176 = arith.muli %scan3A_16, %mul3A_175 : i32
      %add3A_177 = arith.addi %mul3A_2, %mul3A_176 : i32
      %add3A_178 = arith.constant 14 : i32
      %add3A_179 = arith.addi %add3A_177, %add3A_178 : i32
      %dma_start3A_180 = arith.constant 0 : i32
      %dma_start3A_181 = tpu.memref_slice %arg4[%add3A_179, %dma_start3A_180] : memref<16384x64xf32, #tpu.memory_space<hbm>> -> memref<1x64xf32, #tpu.memory_space<hbm>>
      %dma_start3A_182 = arith.constant 0 : i32
      %dma_start3A_183 = tpu.memref_slice %arg2[%squeeze3A_174, %dma_start3A_182] : memref<1000000x64xf32, #tpu.memory_space<hbm>> -> memref<1x64xf32, #tpu.memory_space<hbm>>
      tpu.enqueue_dma source(%dma_start3A_183 : memref<1x64xf32, #tpu.memory_space<hbm>>) target(%dma_start3A_181 : memref<1x64xf32, #tpu.memory_space<hbm>>) target_semaphore(%arg6 : memref<!tpu.dma_semaphore, #tpu.memory_space<semaphore_mem>>)
      %slice3A_184 = vector.extract_strided_slice %get3A_21 {offsets = [15], sizes = [1], strides = [1]} : vector<16xi32> to vector<1xi32>
      %squeeze3A_185 = vector.extract %slice3A_184[0] : i32 from vector<1xi32>
      %mul3A_186 = arith.constant 16 : i32
      %mul3A_187 = arith.muli %scan3A_16, %mul3A_186 : i32
      %add3A_188 = arith.addi %mul3A_2, %mul3A_187 : i32
      %add3A_189 = arith.constant 15 : i32
      %add3A_190 = arith.addi %add3A_188, %add3A_189 : i32
      %dma_start3A_191 = arith.constant 0 : i32
      %dma_start3A_192 = tpu.memref_slice %arg4[%add3A_190, %dma_start3A_191] : memref<16384x64xf32, #tpu.memory_space<hbm>> -> memref<1x64xf32, #tpu.memory_space<hbm>>
      %dma_start3A_193 = arith.constant 0 : i32
      %dma_start3A_194 = tpu.memref_slice %arg2[%squeeze3A_185, %dma_start3A_193] : memref<1000000x64xf32, #tpu.memory_space<hbm>> -> memref<1x64xf32, #tpu.memory_space<hbm>>
      tpu.enqueue_dma source(%dma_start3A_194 : memref<1x64xf32, #tpu.memory_space<hbm>>) target(%dma_start3A_192 : memref<1x64xf32, #tpu.memory_space<hbm>>) target_semaphore(%arg6 : memref<!tpu.dma_semaphore, #tpu.memory_space<semaphore_mem>>)
      %scan3A_195 = arith.constant 0 : i32
      scf.yield %scan3A_195 : i32
    }
    %scan3A_8 = arith.constant 32 : i32
    %scan3A_9 = arith.constant 0 : i32
    %scan3A_10 = arith.constant 0 : i32
    %scan3A_11 = arith.constant 512 : i32
    %scan3A_12 = arith.addi %scan3A_10, %scan3A_11 : i32
    %scan3A_13 = arith.constant 1 : i32
    %scan3A_14 = scf.for %scan3A_16 = %scan3A_10 to %scan3A_12 step %scan3A_13 iter_args(%scan3A_17 = %scan3A_9) -> (i32)  : i32 {
      %dma_wait3A = arith.constant 0 : i32
      %dma_wait3A_18 = tpu.memref_slice %arg4[%mul3A_2, %dma_wait3A] : memref<16384x64xf32, #tpu.memory_space<hbm>> -> memref<1x64xf32, #tpu.memory_space<hbm>>
      %dma_wait3A_19 = arith.constant 0 : i32
      %dma_wait3A_20 = arith.constant 0 : i32
      %dma_wait3A_21 = tpu.memref_slice %arg2[%dma_wait3A_19, %dma_wait3A_20] : memref<1000000x64xf32, #tpu.memory_space<hbm>> -> memref<1x64xf32, #tpu.memory_space<hbm>>
      tpu.wait_dma2 semaphore(%arg6 : memref<!tpu.dma_semaphore, #tpu.memory_space<semaphore_mem>>) src(%dma_wait3A_21 : memref<1x64xf32, #tpu.memory_space<hbm>>) dst(%dma_wait3A_18 : memref<1x64xf32, #tpu.memory_space<hbm>>)
      %scan3A_22 = arith.constant 0 : i32
      scf.yield %scan3A_22 : i32
    }
    %scan3A_15 = arith.constant 512 : i32
    return
  }
}

</mosaic_0001>

<sc_bundles>
// kernel: kernel.3.cloned.1.call-start
scs
__scs_entry_jumppad:
0x0: {  	(pc) =	sbr.rel $0x88, $3  }
0x1: {  	(tag) =	ssettag $0x0;
	lr =	simm.s32 $0x1  }
0x2: {  	[smem:$0x3F9F] =	sst lr;
	_ =	strace $0xD0000000  }
0x3: {  	_ = 	snop  }
0x4: {  	_ = 	snop  }
0x5: {  	_ = 	snop  }
0x6: {  	_ = 	snop  }
0x7: {  	_ = 	snop  }
__scs_overlays_trampoline_lowered:
0x8: {  	[smem:$0x3FAE] =	sst s0  }
0x9: {  	[smem:$0x3FAF] =	sst s1  }
0xa: {  	[smem:$0x3FB0] =	sst s2  }
0xb: {  	[smem:$0x3FB1] =	sst s3  }
0xc: {  	[smem:$0x3FB2] =	sst s4  }
0xd: {  	[smem:$0x3FB3] =	sst s5  }
0xe: {  	[smem:$0x3FB4] =	sst s6  }
0xf: {  	[smem:$0x3FB5] =	sst s7  }
0x10: {  	[smem:$0x3FB6] =	sst s8  }
0x11: {  	[smem:$0x3FB7] =	sst s9;
	s0 =	simm.s32 @!p0 $0x0  }
0x12: {  	s1 =	sld [smem:$0x3F9D];
	s0 =	simm.s32 @p0 $0x1  }
0x13: {  	[smem:$0x3FB8] =	sst s0;
	s0 =	simm.s32 @!p1 $0x0  }
0x14: {  	s2 =	sld [smem:$0x3F9C];
	s0 =	simm.s32 @p1 $0x1  }
0x15: {  	[smem:$0x3FB9] =	sst s0;
	s0 =	simm.s32 @!p2 $0x0  }
0x16: {  	s3 =	sld [smem:$0x3FDB];
	s0 =	simm.s32 @p2 $0x1  }
0x17: {  	s4 =	simm.s32 $0x1BF5;
	[smem:$0x3FBB] =	sst s0  }
0x18: {  	s0 =	sld [smem:$0x3F9E];
	_ =	swait.ge [sflag:s4], $0x0  }
0x19: {  	s7 =	sld [smem:$0x3F9F]  }
0x1a: {  	s8 =	sadd.s32 $0xFFFFE003, lr  }
0x1b: {  	s9 =	sadd.s32 $0xFFFFFEF7, lr;
	s5 =	simm.s32 $0xFFFFFFFF;
	p2 =	slt.u32 s8, $0xFFFFF086  }
0x1c: {  	p1 =	slt.u32 s9, $0xF7A;
	s5 =	simm.s32 @!p2 $0x0  }
0x1d: {  	s5 =	simm.s32 @p1 $0x1;
	p0 =	seq.s32 s7, s2  }
0x1e: {  	s7 =	smul.u32 @!p0 $0xF7A, s2;
	p2 =	seq.s32 @!p0 s5, $0x0  }
0x1f: {  	s9 =	smul.u32 $0xF7A, s1;
	s8 =	simm.s32 @!p0 $0x1BF5;
	p2 =	por !p2, p0  }
0x20: {  	[sflag:s8] =	ssyncset.s32 @!p0 $0xFFFFF086;
	s6 =	sadd.s32 @!p0 s3, s7;
	s7 =	simm.s32 @!p0 $0x108  }
0x21: {  	s3 =	sadd.s32 s3, s9;
	s6 =	sadd.s32 @!p0 $0x88, s6;
	s7 =	simm.s32 @p2 $0x1082  }
0x22: {  	[simem:s7], [sflag:s8] =	dma.local @!p0 [hbm:s6], $0xF7A  }
0x23: {  	s9 =	sor.u32 $0xD0000000, s2;
	s6 =	simm.s32 $0x108;
	_ =	swait.ge @!p0 [sflag:s8], $0x0  }
0x24: {  	s3 =	sadd.s32 $0x88, s3;
	s6 =	simm.s32 @!p1 $0x1082;
	[sflag:s4] =	ssyncset.s32 $0xFFFFF086  }
0x25: {  	[simem:s6], [sflag:s4] =	dma.local [hbm:s3], $0xF7A  }
0x26: {  	[smem:$0x3F9F] =	sst s1;
	(tag) =	ssettag s2;
	_ =	strace s9  }
0x27: {  	s1 =	sld [smem:$0x3FAF]  }
0x28: {  	s2 =	sld [smem:$0x3FB0]  }
0x29: {  	s4 =	sld [smem:$0x3FB2]  }
0x2a: {  	p0 =	seq.s32 s5, $0x0;
	s5 =	sld [smem:$0x3FB3]  }
0x2b: {  	s6 =	sld [smem:$0x3FB4]  }
0x2c: {  	s7 =	sld [smem:$0x3FB5]  }
0x2d: {  	s3 =	simm.s32 $0x108;
	s8 =	sld [smem:$0x3FB6]  }
0x2e: {  	s3 =	simm.s32 @!p0 $0x1082;
	s9 =	sld [smem:$0x3FB7]  }
0x2f: {  	lr =	sadd.s32 s0, s3;
	s0 =	sld [smem:$0x3FAE]  }
0x30: {  	s3 =	sld [smem:$0x3FB1]  }
0x31: {  	[smem:$0x3FBA] =	sst s10  }
0x32: {  	s10 =	sld [smem:$0x3FB8];
	_ =	sdelay $0x3  }
0x33: {  	p0 =	seq.s32 s10, $0x1;
	s10 =	sld [smem:$0x3FBA];
	_ =	sdelay $0x3  }
0x34: {  	[smem:$0x3FBA] =	sst s10  }
0x35: {  	s10 =	sld [smem:$0x3FB9];
	_ =	sdelay $0x3  }
0x36: {  	p1 =	seq.s32 s10, $0x1;
	s10 =	sld [smem:$0x3FBA];
	_ =	sdelay $0x3  }
0x37: {  	[smem:$0x3FBA] =	sst s10  }
0x38: {  	s10 =	sld [smem:$0x3FBB]  }
0x39: {  	_ = 	snop;
	(pc) =	sbr.ind lr, $3  }
0x3a: {  	_ = 	snop  }
0x3b: {  	_ = 	snop  }
0x3c: {  	p2 =	seq.s32 s10, $0x1;
	s10 =	sld [smem:$0x3FBA]  }
0x3d: {  	_ =	shalt  }
0x3e: {  	_ =	shalt  }
0x3f: {  	_ =	shalt  }
0x40: {  	_ =	shalt  }
0x41: {  	_ =	shalt  }
0x42: {  	_ =	shalt  }
0x43: {  	_ =	shalt  }
0x44: {  	_ =	shalt  }
0x45: {  	_ =	shalt  }
0x46: {  	_ =	shalt  }
0x47: {  	_ =	shalt  }
0x48: {  	_ =	shalt  }
0x49: {  	_ =	shalt  }
0x4a: {  	_ =	shalt  }
0x4b: {  	_ =	shalt  }
0x4c: {  	_ =	shalt  }
0x4d: {  	_ =	shalt  }
0x4e: {  	_ =	shalt  }
0x4f: {  	_ =	shalt  }
0x50: {  	_ =	shalt  }
0x51: {  	_ =	shalt  }
0x52: {  	_ =	shalt  }
0x53: {  	_ =	shalt  }
0x54: {  	_ =	shalt  }
0x55: {  	_ =	shalt  }
0x56: {  	_ =	shalt  }
0x57: {  	_ =	shalt  }
0x58: {  	_ =	shalt  }
0x59: {  	_ =	shalt  }
0x5a: {  	_ =	shalt  }
0x5b: {  	_ =	shalt  }
0x5c: {  	_ =	shalt  }
0x5d: {  	_ =	shalt  }
0x5e: {  	_ =	shalt  }
0x5f: {  	_ =	shalt  }
0x60: {  	_ =	shalt  }
0x61: {  	_ =	shalt  }
0x62: {  	_ =	shalt  }
0x63: {  	_ =	shalt  }
0x64: {  	_ =	shalt  }
0x65: {  	_ =	shalt  }
0x66: {  	_ =	shalt  }
0x67: {  	_ =	shalt  }
0x68: {  	_ =	shalt  }
0x69: {  	_ =	shalt  }
0x6a: {  	_ =	shalt  }
0x6b: {  	_ =	shalt  }
0x6c: {  	_ =	shalt  }
0x6d: {  	_ =	shalt  }
0x6e: {  	_ =	shalt  }
0x6f: {  	_ =	shalt  }
0x70: {  	_ =	shalt  }
0x71: {  	_ =	shalt  }
0x72: {  	_ =	shalt  }
0x73: {  	_ =	shalt  }
0x74: {  	_ =	shalt  }
0x75: {  	_ =	shalt  }
0x76: {  	_ =	shalt  }
0x77: {  	_ =	shalt  }
0x78: {  	_ =	shalt  }
0x79: {  	_ =	shalt  }
0x7a: {  	_ =	shalt  }
0x7b: {  	_ =	shalt  }
0x7c: {  	_ =	shalt  }
0x7d: {  	_ =	shalt  }
0x7e: {  	_ =	shalt  }
0x7f: {  	_ =	shalt  }
0x80: {  	_ =	shalt  }
0x81: {  	_ =	shalt  }
0x82: {  	_ =	shalt  }
0x83: {  	_ =	shalt  }
0x84: {  	_ =	shalt  }
0x85: {  	_ =	shalt  }
0x86: {  	_ =	shalt  }
0x87: {  	_ =	shalt  }
.Lfunc_end0:
.L_simem_size_0:
called_computation_lowered:
.L_overlay_start_0:
0x88: {  	s2 =	sld [smem:$0x3FD9]  }
0x89: {  	s3 =	sld [smem:$0x3FFE];
	_ =	sdelay $0x1  }
0x8a: {  	s1 =	srdreg.scid  }
0x8b: {  	s0 =	sand.u32 $0x1, s1  }
0x8c: {  	s17 =	sshll.u32 s0, $0xA;
	s2 =	sadd.s32 s3, s2  }
0x8d: {  	s2 =	sadd.s32 s2, s17  }
0x8e: {  	[smem:$0x3FC6] =	sst s2  }
0x8f: {  	_ = 	snop  }
0x90: {  	s2 =	sld [smem:$0x3FC9];
	(tm) =	ssettm $0x1  }
0x91: {  	s18 =	sld [smem:$0x3FFB];
	_ =	sdelay $0x3  }
0x92: {  	_ =	strace s18  }
0x93: {  	s3 =	sld [smem:$0x3FFC];
	_ =	sdelay $0x3  }
0x94: {  	_ =	strace s3  }
0x95: {  	s3 =	sld [smem:$0x3FFD];
	_ =	sdelay $0x3  }
0x96: {  	_ =	strace s3  }
0x97: {  	_ =	strace $0x8FFFFFFF  }
0x98: {  	s19 =	sld [smem:$0x3FDB];
	_ =	sdelay $0x1  }
0x99: {  	s4 =	simm.s32 $_scs_section_size  }
0x9a: {  	s5 =	simm.s32 $_size__tile_overlayer_lowered;
	s6 =	simm.s32 $_tile_overlayer_lowered  }
0x9b: {  	s22 =	simm.s32 $0x1BFF;
	s21 =	sshll.u32 s6, $0x1;
	s3 =	sadd.s32 s4, s19  }
0x9c: {  	s7 =	simm.s32 $0x0;
	s20 =	sshll.u32 s5, $0x1;
	s5 =	sadd.s32 s21, s3  }
0x9d: {  	[timem:s7], [sflag:s22] =	dma.local [hbm:s5], s20  }
0x9e: {  	_ =	swait.ge [sflag:s22], s20  }
0x9f: {  	s4 =	ssub.s32 $0x0, s20;
	[sflag:s22] =	ssyncset.done $0x0  }
0xa0: {  	[sflag:s22] =	ssyncadd.s32 s4;
	_ =	sdelay $0x1  }
0xa1: {  	s23 =	simm.s32 $0x1B8B  }
0xa2: {  	_ =	swait.ge [sflag:s23], $0x1  }
0xa3: {  	[sflag:s23] =	ssyncset.done $0x0  }
0xa4: {  	s25 =	simm.s32 $0x1B8E;
	s24 =	sld [smem:$0x3FFE];
	[sflag:s23] =	ssyncadd.s32 $0xFFFFFFFF  }
0xa5: {  	s26 =	simm.s32 $execute0_lowered;
	[smem:$0x3FD2] =	sst s25  }
0xa6: {  	s5 =	sshll.u32 s26, $0x1;
	_ =	strace $0x80000046;
	[dreg:$0x1] =	wrdreg $0xFFFFFFFF  }
0xa7: {  	s28 =	simm.s32 $_size_execute0_lowered;
	s3 =	sadd.s32 s3, s5;
	[dreg:$0x0] =	wrdreg $0x0  }
0xa8: {  	s5 =	sshll.u32 s28, $0x1;
	[dreg:$0x2] =	wrdreg s3  }
0xa9: {  	[dreg:$0x3] =	wrdreg s5  }
0xaa: {  	[dreg:$0x4] =	wrdreg $0xC0  }
0xab: {  	_ =	task [dreg:s7], $0x5FFFF  }
0xac: {  	[dreg:$0x1] =	wrdreg $0xFFFFFFFF  }
0xad: {  	[dreg:$0x0] =	wrdreg $0x60  }
0xae: {  	[dreg:$0x2] =	wrdreg s24  }
0xaf: {  	[dreg:$0x3] =	wrdreg s2  }
0xb0: {  	[dreg:$0x4] =	wrdreg $0x9  }
0xb1: {  	_ =	task.clear_ibuf [dreg:s7], $0x5FFFF;
	_ =	strace $0x90000046  }
0xb2: {  	s29 =	simm.s32 $0x9;
	_ =	strace $0x80000048  }
0xb3: {  	_ =	swait.ge [sflag:s29], $0x1  }
0xb4: {  	[sflag:s29] =	ssyncadd.s32 $0xFFFFFFFF  }
0xb5: {  	_ =	strace $0x90000048  }
0xb6: {  	_ =	sfence  }
0xb7: {  	s30 =	sld [smem:$0x0];
	_ =	sdelay $0x2  }
0xb8: {  	s31 =	sshll.u32 s1, $0xD;
	s1 =	sshrl.u32 s1, $0x2  }
0xb9: {  	s3 =	sand.u32 $0x4000, s31;
	s1 =	sadd.s32 s1, s30  }
0xba: {  	s0 =	sor.u32 s3, s0;
	s1 =	sshll.u32 s1, $0x11  }
0xbb: {  	s0 =	sor.u32 s1, s0  }
0xbc: {  	s0 =	sadd.s32 $0x8F2B, s0  }
0xbd: {  	[sflag:s0] =	ssyncadd.remote.s32 $0x1  }
0xbe: {  	_ =	sfence.sel $0xFFFF  }
0xbf: {  	[dreg:$0x0] =	wrdreg $0xFFFFFFFF;
	(pc) =	sbr.abs _section_cstart, $3  }
0xc0: {  	[dreg:$0x1] =	wrdreg $0xFFFFFFFF  }
0xc1: {  	_ =	task.clear_ibuf [dreg:s7], $0x2FFFF;
	_ =	strace $0x9FFFFFFF  }
0xc2: {  	(tm) =	ssettm $0x7FFFFFFF  }
0xc3: {  	_ =	shalt  }
tec
execute0_lowered:
.L_overlay_start_1:
0x0: {  	(tag) =	ssettag $0x1  }
0x1: {  	s4 =	rddreg [dreg:$0x0]  }
0x2: {  	s5 =	rddreg [dreg:$0x1]  }
0x3: {  	s0 =	simm.s32 $0x0;
	s26 =	stileid.u32;
	s7 =	srdreg.scid  }
0x4: {  	[smem:$0x7FF] =	sst s0;
	s6 =	sshll.u32 s26, $0xE;
	s3 =	sadd.s32 $0x400, s4  }
0x5: {  	s28 =	sand.u32 $0x1, s7;
	s8 =	sshll.u32 s26, $0xA;
	_ =	strace $0x80000047  }
0x6: {  	s4 =	sadd.s32 s6, s4;
	s9 =	sshll.u32 s28, $0x9;
	s6 =	sshll.u32 s28, $0xD  }
0x7: {  	s7 =	ssub.s32 $0x2, s28;
	s8 =	sor.u32 s9, s8;
	s6 =	sadd.s32 s6, s4  }
0x8: {  	s29 =	sshrl.u32 s7, $0x1;
	s8 =	sshrl.u32 s8, $0x3;
	s6 =	sadd.s32 $0xF42800, s6  }
0x9: {  	s7 =	ssub.s32 s7, s29;
	s1 =	sadd.s32 s5, s8;
	[dreg:$0x3] =	wrdreg s6  }
0xa: {  	s31 =	sshll.u32 s26, $0x6;
	s30 =	smax.u32 s7, $0x1;
	[dreg:$0xa] =	wrdreg s1  }
0xb: {  	s2 =	simm.s32 $0x0;
	s7 =	sor.u32 $0x1C01, s31;
	[dreg:$0xb] =	wrdreg s30  }
.LBB2_1:
0xc: {  	[dreg:$0xc] =	wrdreg s2  }
0xd: {  	s0 =	simm.s32 $0x0;
	s1 =	rddreg [dreg:$0xa];
	s31 =	simm.s32 $0x2  }
0xe: {  	[tilespmem:s0], [sflag:$0x2] =	stream.linear.gather [hbm4b:s1+s0], $0x200, $0x38;
	[tilespmem:$0x200] =	vst v63  }
0xf: {  	_ =	swait.ge [sflag:s31], $0x200  }
0x10: {  	[sflag:s31] =	ssyncset.done $0x0  }
0x11: {  	[sflag:s31] =	ssyncadd.s32 $0xFFFFFE00  }
0x12: {  	v0 =	vld [tilespmem:s0+$0x0];
	_ =	sdelay $0x4  }
0x13: {  	v0 =	vshll.u32 v0, $0x4  }
0x14: {  	(v2sf) =	vpush v0, $0x0  }
0x15: {  	(v2sf) =	vpush v0, $0x1  }
0x16: {  	(v2sf) =	vpush v0, $0xB  }
0x17: {  	s10 =	rddreg [dreg:$0x3];
	(v2sf) =	vpush v0, $0x9  }
0x18: {  	s10 =	sadd.s32 $0x0, s10;
	(v2sf) =	vpush v0, $0xC  }
0x19: {  	s11 =	simm.s32 $0x100;
	s12 =	simm.s32 $0x0;
	s19 =	sadd.s32 $0x10, s10;
	(v2sf) =	vpush v0, $0x4  }
.LBB2_2:
0x1a: {  	_ = 	snop  }
0x1b: {  	(v2sf) =	vpush v0, $0x5  }
0x1c: {  	(v2sf) =	vpush v0, $0x6  }
0x1d: {  	(v2sf) =	vpush v0, $0xD  }
0x1e: {  	(v2sf) =	vpush v0, $0x3  }
0x1f: {  	(v2sf) =	vpush v0, $0x7  }
0x20: {  	s0 =	sadd.s32 $0xC0, s10;
	s8 =	sadd.s32 $0x70, s10;
	s9 =	smov.u32 s11;
	(v2sf) =	vpush v0, $0x8  }
0x21: {  	s20 =	sadd.s32 $0x30, s10;
	s13 =	sadd.s32 $0x40, s10;
	[dreg:$0x5] =	wrdreg s0;
	(v2sf) =	vpush v0, $0xE  }
0x22: {  	s21 =	sadd.s32 $0x20, s10;
	s14 =	sadd.s32 $0xF0, s10;
	[dreg:$0x7] =	wrdreg s8;
	(v2sf) =	vpush v0, $0x2  }
0x23: {  	s15 =	sadd.s32 $0xB0, s10;
	[dreg:$0x4] =	wrdreg s9;
	s25 =	spop (v2sf);
	(v2sf) =	vpush v0, $0xF  }
0x24: {  	s22 =	sadd.s32 $0x80, s10;
	[dreg:$0x9] =	wrdreg s13;
	s24 =	spop (v2sf);
	(v2sf) =	vpush v0, $0xA  }
0x25: {  	s23 =	sadd.s32 $0xA0, s10;
	s28 =	sadd.s32 $0x60, s10;
	[dreg:$0x6] =	wrdreg s14  }
0x26: {  	[dreg:$0x8] =	wrdreg s15;
	s25 =	sand.u32 $0x1FFFFFF0, s25;
	s29 =	spop (v2sf)  }
0x27: {  	s26 =	sand.u32 $0x1FFFFFF0, s24;
	s24 =	sadd.s32 $0x90, s10;
	s30 =	spop (v2sf)  }
0x28: {  	s31 =	sadd.s32 s3, s25;
	s25 =	sadd.s32 $0xE0, s10;
	s17 =	spop (v2sf)  }
0x29: {  	s13 =	sadd.s32 s3, s26;
	s16 =	sand.u32 $0x1FFFFFF0, s29;
	s1 =	spop (v2sf)  }
0x2a: {  	s26 =	sadd.s32 s3, s16;
	s30 =	sand.u32 $0x1FFFFFF0, s30;
	s2 =	spop (v2sf)  }
0x2b: {  	s29 =	sand.u32 $0x1FFFFFF0, s17;
	s30 =	sadd.s32 s3, s30;
	s4 =	spop (v2sf)  }
0x2c: {  	s17 =	sadd.s32 $0xD0, s10;
	s1 =	sand.u32 $0x1FFFFFF0, s1;
	s5 =	spop (v2sf)  }
0x2d: {  	s1 =	sadd.s32 s3, s1;
	s2 =	sand.u32 $0x1FFFFFF0, s2;
	s6 =	spop (v2sf)  }
0x2e: {  	s2 =	sadd.s32 s3, s2;
	s4 =	sand.u32 $0x1FFFFFF0, s4;
	s9 =	spop (v2sf)  }
0x2f: {  	s4 =	sadd.s32 s3, s4;
	s6 =	sand.u32 $0x1FFFFFF0, s6;
	s8 =	spop (v2sf)  }
0x30: {  	s5 =	sand.u32 $0x1FFFFFF0, s5;
	s6 =	sadd.s32 s3, s6;
	s18 =	spop (v2sf)  }
0x31: {  	s9 =	sand.u32 $0x1FFFFFF0, s9;
	s8 =	sand.u32 $0x1FFFFFF0, s8;
	s14 =	spop (v2sf)  }
0x32: {  	s9 =	sadd.s32 s3, s9;
	s14 =	sand.u32 $0x1FFFFFF0, s14;
	s15 =	spop (v2sf)  }
0x33: {  	s0 =	sand.u32 $0x1FFFFFF0, s18;
	s14 =	sadd.s32 s3, s14;
	s16 =	spop (v2sf)  }
0x34: {  	[hbm:s10], [sflag:s7] =	dma.local [hbm:s31], $0x10  }
0x35: {  	[hbm:s19], [sflag:s7] =	dma.local [hbm:s13], $0x10  }
0x36: {  	[hbm:s21], [sflag:s7] =	dma.local [hbm:s14], $0x10  }
0x37: {  	[hbm:s20], [sflag:s7] =	dma.local [hbm:s6], $0x10  }
0x38: {  	s18 =	sadd.s32 $0x50, s10;
	s16 =	sand.u32 $0x1FFFFFF0, s16;
	s6 =	rddreg [dreg:$0x9]  }
0x39: {  	[hbm:s6], [sflag:s7] =	dma.local [hbm:s1], $0x10  }
0x3a: {  	[hbm:s18], [sflag:s7] =	dma.local [hbm:s2], $0x10  }
0x3b: {  	[hbm:s28], [sflag:s7] =	dma.local [hbm:s4], $0x10  }
0x3c: {  	s8 =	sadd.s32 s3, s8;
	s16 =	sadd.s32 s3, s16;
	s28 =	rddreg [dreg:$0x7]  }
0x3d: {  	[hbm:s28], [sflag:s7] =	dma.local [hbm:s9], $0x10  }
0x3e: {  	[hbm:s22], [sflag:s7] =	dma.local [hbm:s8], $0x10  }
0x3f: {  	[hbm:s24], [sflag:s7] =	dma.local [hbm:s30], $0x10  }
0x40: {  	[hbm:s23], [sflag:s7] =	dma.local [hbm:s16], $0x10  }
0x41: {  	s29 =	sadd.s32 s3, s29;
	s5 =	sadd.s32 s3, s5;
	s30 =	rddreg [dreg:$0x8]  }
0x42: {  	[hbm:s30], [sflag:s7] =	dma.local [hbm:s26], $0x10  }
0x43: {  	s0 =	sadd.s32 s3, s0;
	s15 =	sand.u32 $0x1FFFFFF0, s15;
	s1 =	rddreg [dreg:$0x5]  }
0x44: {  	[hbm:s1], [sflag:s7] =	dma.local [hbm:s29], $0x10  }
0x45: {  	[hbm:s17], [sflag:s7] =	dma.local [hbm:s5], $0x10  }
0x46: {  	[hbm:s25], [sflag:s7] =	dma.local [hbm:s0], $0x10  }
0x47: {  	s12 =	sadd.s32 $0x10, s12;
	s15 =	sadd.s32 s3, s15;
	s0 =	rddreg [dreg:$0x6]  }
0x48: {  	[hbm:s0], [sflag:s7] =	dma.local [hbm:s15], $0x10  }
0x49: {  	v0 =	vld [tilespmem:s12+$0x0];
	_ =	sdelay $0x4  }
0x4a: {  	v0 =	vshll.u32 v0, $0x4  }
0x4b: {  	p0 =	sne.s32 s11, $0x1F00;
	(v2sf) =	vpush v0, $0x0  }
.Ltmp0:
0x4c: {  	(v2sf) =	vpush v0, $0x1;
	(pc) =	sbr.rel @p0 .LBB2_2-.Ltmp0, $4  }
0x4d: {  	s0 =	rddreg [dreg:$0x3];
	(v2sf) =	vpush v0, $0xB  }
0x4e: {  	s31 =	rddreg [dreg:$0x4];
	(v2sf) =	vpush v0, $0x9  }
0x4f: {  	s10 =	sadd.s32 s31, s0;
	(v2sf) =	vpush v0, $0xC  }
0x50: {  	s11 =	sadd.s32 $0x100, s11;
	s19 =	sadd.s32 $0x10, s10;
	(v2sf) =	vpush v0, $0x4  }
0x51: {  	(v2sf) =	vpush v0, $0x5  }
0x52: {  	(v2sf) =	vpush v0, $0x6  }
0x53: {  	(v2sf) =	vpush v0, $0xD  }
0x54: {  	(v2sf) =	vpush v0, $0x3  }
0x55: {  	(v2sf) =	vpush v0, $0x7  }
0x56: {  	(v2sf) =	vpush v0, $0x8  }
0x57: {  	(v2sf) =	vpush v0, $0xE  }
0x58: {  	(v2sf) =	vpush v0, $0x2  }
0x59: {  	(v2sf) =	vpush v0, $0xF  }
0x5a: {  	s0 =	spop (v2sf);
	(v2sf) =	vpush v0, $0xA  }
0x5b: {  	s1 =	spop (v2sf)  }
0x5c: {  	s2 =	spop (v2sf)  }
0x5d: {  	s4 =	spop (v2sf)  }
0x5e: {  	s5 =	spop (v2sf)  }
0x5f: {  	s6 =	spop (v2sf)  }
0x60: {  	s8 =	spop (v2sf)  }
0x61: {  	s9 =	spop (v2sf)  }
0x62: {  	s11 =	spop (v2sf)  }
0x63: {  	s12 =	spop (v2sf)  }
0x64: {  	s13 =	spop (v2sf)  }
0x65: {  	s14 =	spop (v2sf)  }
0x66: {  	s15 =	spop (v2sf)  }
0x67: {  	s16 =	spop (v2sf)  }
0x68: {  	s0 =	sand.u32 $0x1FFFFFF0, s0;
	s17 =	spop (v2sf)  }
0x69: {  	s0 =	sadd.s32 s3, s0;
	s22 =	sand.u32 $0x1FFFFFF0, s1;
	s18 =	spop (v2sf)  }
0x6a: {  	[hbm:s10], [sflag:s7] =	dma.local [hbm:s0], $0x10  }
0x6b: {  	s23 =	sand.u32 $0x1FFFFFF0, s16;
	s0 =	sadd.s32 s3, s22  }
0x6c: {  	[hbm:s19], [sflag:s7] =	dma.local [hbm:s0], $0x10  }
0x6d: {  	s24 =	sadd.s32 $0x20, s10;
	s25 =	sand.u32 $0x1FFFFFF0, s12;
	s0 =	sadd.s32 s3, s23  }
0x6e: {  	[hbm:s24], [sflag:s7] =	dma.local [hbm:s0], $0x10  }
0x6f: {  	s26 =	sadd.s32 $0x30, s10;
	s28 =	sand.u32 $0x1FFFFFF0, s6;
	s0 =	sadd.s32 s3, s25  }
0x70: {  	[hbm:s26], [sflag:s7] =	dma.local [hbm:s0], $0x10  }
0x71: {  	s29 =	sadd.s32 $0x40, s10;
	s30 =	sand.u32 $0x1FFFFFF0, s8;
	s0 =	sadd.s32 s3, s28  }
0x72: {  	[hbm:s29], [sflag:s7] =	dma.local [hbm:s0], $0x10  }
0x73: {  	s31 =	sadd.s32 $0x50, s10;
	s1 =	sand.u32 $0x1FFFFFF0, s9;
	s0 =	sadd.s32 s3, s30  }
0x74: {  	[hbm:s31], [sflag:s7] =	dma.local [hbm:s0], $0x10  }
0x75: {  	s6 =	sadd.s32 $0x60, s10;
	s8 =	sand.u32 $0x1FFFFFF0, s13;
	s0 =	sadd.s32 s3, s1  }
0x76: {  	[hbm:s6], [sflag:s7] =	dma.local [hbm:s0], $0x10  }
0x77: {  	s9 =	sadd.s32 $0x70, s10;
	s12 =	sand.u32 $0x1FFFFFF0, s14;
	s0 =	sadd.s32 s3, s8  }
0x78: {  	[hbm:s9], [sflag:s7] =	dma.local [hbm:s0], $0x10  }
0x79: {  	s13 =	sadd.s32 $0x80, s10;
	s14 =	sand.u32 $0x1FFFFFF0, s4;
	s0 =	sadd.s32 s3, s12  }
0x7a: {  	[hbm:s13], [sflag:s7] =	dma.local [hbm:s0], $0x10  }
0x7b: {  	s16 =	sadd.s32 $0x90, s10;
	s19 =	sand.u32 $0x1FFFFFF0, s18;
	s0 =	sadd.s32 s3, s14  }
0x7c: {  	[hbm:s16], [sflag:s7] =	dma.local [hbm:s0], $0x10  }
0x7d: {  	s20 =	sadd.s32 $0xA0, s10;
	s21 =	sand.u32 $0x1FFFFFF0, s2;
	s0 =	sadd.s32 s3, s19  }
0x7e: {  	[hbm:s20], [sflag:s7] =	dma.local [hbm:s0], $0x10  }
0x7f: {  	s22 =	sadd.s32 $0xB0, s10;
	s23 =	sand.u32 $0x1FFFFFF0, s5;
	s0 =	sadd.s32 s3, s21  }
0x80: {  	[hbm:s22], [sflag:s7] =	dma.local [hbm:s0], $0x10  }
0x81: {  	s24 =	sadd.s32 $0xC0, s10;
	s25 =	sand.u32 $0x1FFFFFF0, s11;
	s0 =	sadd.s32 s3, s23  }
0x82: {  	[hbm:s24], [sflag:s7] =	dma.local [hbm:s0], $0x10  }
0x83: {  	s26 =	sadd.s32 $0xD0, s10;
	s28 =	sand.u32 $0x1FFFFFF0, s15;
	s0 =	sadd.s32 s3, s25  }
0x84: {  	[hbm:s26], [sflag:s7] =	dma.local [hbm:s0], $0x10  }
0x85: {  	s29 =	sadd.s32 $0xE0, s10;
	s30 =	sand.u32 $0x1FFFFFF0, s17;
	s0 =	sadd.s32 s3, s28  }
0x86: {  	[hbm:s29], [sflag:s7] =	dma.local [hbm:s0], $0x10  }
0x87: {  	s31 =	sadd.s32 $0xF0, s10;
	s1 =	simm.s32 $0x1;
	s0 =	sadd.s32 s3, s30  }
0x88: {  	[hbm:s31], [sflag:s7] =	dma.local [hbm:s0], $0x10  }
0x89: {  	_ =	swait.ge [sflag:s1], $0x10  }
0x8a: {  	s10 =	simm.s32 $0x1FF;
	[sflag:s1] =	ssyncset.done $0x0  }
.LBB2_4:
0x8b: {  	p0 =	sne.s32 s10, $0x1;
	s10 =	sadd.s32 $0xFFFFFFFF, s10;
	[sflag:s1] =	ssyncadd.s32 $0xFFFFFFF0  }
.Ltmp1:
0x8c: {  	(pc) =	sbr.rel @p0 .LBB2_4-.Ltmp1, $3  }
0x8d: {  	_ =	sdelay $0x1  }
0x8e: {  	_ =	swait.ge [sflag:s1], $0x10  }
0x8f: {  	[sflag:s1] =	ssyncset.done $0x0  }
0x90: {  	s2 =	rddreg [dreg:$0xc]  }
0x91: {  	s0 =	rddreg [dreg:$0xb];
	s2 =	sadd.s32 $0x1, s2  }
0x92: {  	p0 =	sne.s32 s2, s0  }
.Ltmp2:
0x93: {  	_ = 	snop;
	(pc) =	sbr.rel @p0 .LBB2_1-.Ltmp2, $2  }
0x94: {  	_ =	sdelay $0x2  }
0x95: {  	[sflag:s1] =	ssyncadd.s32 $0xFFFFFFF0  }
0x96: {  	_ =	sfence.sel $0x180000  }
0x97: {  	[bflag:$0x0] =	sbarrier.arrive $0xFFFF  }
0x98: {  	_ =	strace $0x90000047  }
0x99: {  	s0 =	stileid.u32;
	[bflag:$0x2] =	sbarrier.arrive $0xFFFF  }
0x9a: {  	p0 =	sne.s32 s0, $0x0;
	s0 =	rddreg [dreg:$0x2]  }
0x9b: {  	s0 =	sadd.s32 @!p0 $0x100000, s0  }
0x9c: {  	[sflag:s0] =	ssyncadd.tile.s32 @!p0 $0x1;
	_ =	shalt  }
.Lfunc_end2:
_tile_overlayer_lowered:
.L_overlay_start_2:
0x9d: {  	(tag) =	ssettag $0x2  }
0x9e: {  	s0 =	rddreg [dreg:$0x0];
	s2 =	stileid.u32  }
0x9f: {  	s1 =	rddreg [dreg:$0x1];
	p0 =	sne.s32 s2, $0x0  }
0xa0: {  	s3 =	rddreg [dreg:$0x2];
	[bflag:$0x3] =	sbarrier.arrive $0xFFFF;
	s2 =	simm.s32 @!p0 $0x1C02  }
0xa1: {  	[timem:s3], [sflag:s2] =	dma.local @!p0 [hbm:s0], s1  }
0xa2: {  	s0 =	simm.s32 @!p0 $0x2  }
0xa3: {  	_ =	swait.ge @!p0 [sflag:s0], s1  }
0xa4: {  	s1 =	ssub.s32 @!p0 $0x0, s1;
	[sflag:s0] =	ssyncset.done @!p0 $0x0  }
0xa5: {  	[sflag:s0] =	ssyncadd.s32 @!p0 s1  }
0xa6: {  	[bflag:$0x3] =	sbarrier.arrive $0xFFFF  }
0xa7: {  	_ =	shalt  }

</sc_bundles>
